<compile_context>
chip_gen: v7x
topology: tpu7x:2x2x1
jax: 0.10.2.dev20260603
libtpu: 0.0.44.dev20260713+nightly
codegen_flags: <defaults>
</compile_context>

<pallas_src>
import functools

import jax
import jax.numpy as jnp
from jax import lax
from jax.experimental import pallas as pl
from jax.experimental.pallas import tpu as pltpu
from jax.experimental.pallas import tpu_sc as plsc

B = 16384
D = 64
BQ = B // 4
DQ = 4 * D

_info = plsc.get_sparse_core_info()
_NC, _NS, _L = _info.num_cores, _info.num_subcores, _info.num_lanes
_NW = _NC * _NS
_QPW = BQ // _NW
_IPW = B // _NW

_mesh = plsc.VectorSubcoreMesh(core_axis_name="c", subcore_axis_name="s")


@functools.partial(
    pl.kernel,
    mesh=_mesh,
    out_type=jax.ShapeDtypeStruct((BQ, DQ), jnp.float32),
    compiler_params=pltpu.CompilerParams(
        needs_layout_passes=False,
        use_tc_tiling_on_sc=False,
        skip_device_barrier=True,
    ),
    scratch_types=[
        pltpu.VMEM((_IPW,), jnp.int32),
        pltpu.VMEM((_QPW,), jnp.int32),
        pltpu.VMEM((_QPW, DQ), jnp.float32),
        pltpu.SemaphoreType.DMA,
    ],
)
def _gather_kernel(quads_hbm, idx_hbm, out_hbm, idx_v, qidx_v, rows_v, sem):
    wid = lax.axis_index("s") * _NC + lax.axis_index("c")
    pltpu.sync_copy(idx_hbm.at[pl.ds(wid * _IPW, _IPW)], idx_v)
    lane4 = lax.iota(jnp.int32, _L) * 4
    for g in range(_QPW // _L):
        i0 = plsc.load_gather(idx_v, [lane4 + (4 * _L) * g])
        i1 = plsc.load_gather(idx_v, [lane4 + ((4 * _L) * g + 1)])
        i2 = plsc.load_gather(idx_v, [lane4 + ((4 * _L) * g + 2)])
        i3 = plsc.load_gather(idx_v, [lane4 + ((4 * _L) * g + 3)])
        qidx_v[pl.ds(g * _L, _L)] = i0 * 64 + i1 * 16 + i2 * 4 + i3
    pltpu.async_copy(quads_hbm.at[qidx_v], rows_v, sem).wait()
    pltpu.sync_copy(rows_v, out_hbm.at[pl.ds(wid * _QPW, _QPW)])


def kernel(a, emb):
    pairs = jnp.concatenate(
        [jnp.repeat(emb, 4, axis=0), jnp.tile(emb, (4, 1))], axis=-1
    )
    quads = jnp.concatenate(
        [jnp.repeat(pairs, 16, axis=0), jnp.tile(pairs, (16, 1))], axis=-1
    )
    out = _gather_kernel(quads, a.astype(jnp.int32))
    return out.reshape(B, D)[:, None, :]

# --- scband reference (transcript-rebuilt; emitter-appended) ---
"""Pipeline reference for scband-action-encoder-71442486002376 (READ-ONLY COPY).

The authoritative reference and input builder live on the scoring server;
editing this copy changes nothing except your own understanding.
"""

import jax, jax.numpy as jnp
import numpy as np

NUM_ACTIONS = 4
D_ACT = 64
B = 16384

def setup_inputs(seed: int = 0) -> dict:
    key = jax.random.key(seed)
    k1, k2 = jax.random.split(key)
    a = jax.random.randint(k1, (B,), 0, NUM_ACTIONS, dtype=jnp.int64 if jax.config.jax_enable_x64 else jnp.int32)
    emb = jax.random.normal(k2, (NUM_ACTIONS, D_ACT), dtype=jnp.float32)
    return {"a": a, "emb": emb}

def reference(a, emb):
    # nn.Embedding lookup: (B,) -> (B, d_act), then unsqueeze(1) -> (B, 1, d_act)
    out = jnp.take(emb, a, axis=0)
    return out[:, None, :]

if __name__ == "__main__":
    import jax
    _d = setup_inputs()
    print(jax.jit(kernel)(*tuple(_d.values())))

</pallas_src>

<mosaic_0001>
#map = affine_map<(d0, d1) -> (0, 0)>
#map1 = affine_map<(d0, d1) -> (0)>
module attributes {stable_mosaic.version = 14 : i64} {
  func.func @_gather_kernel(%arg0: i32, %arg1: i32, %arg2: memref<256x256xf32, #tpu.memory_space<hbm>>, %arg3: memref<16384xi32, #tpu.memory_space<hbm>>, %arg4: memref<4096x256xf32, #tpu.memory_space<hbm>>, %arg5: memref<512xi32, #tpu.memory_space<vmem>>, %arg6: memref<128xi32, #tpu.memory_space<vmem>>, %arg7: memref<128x256xf32, #tpu.memory_space<vmem>>, %arg8: memref<!tpu.dma_semaphore, #tpu.memory_space<semaphore_mem>>) attributes {dimension_semantics = [#tpu.dimension_semantics<core_parallel>, #tpu.dimension_semantics<subcore_parallel>], iteration_bounds = array<i64: 2, 16>, scalar_prefetch = 0 : i64, scratch_operands = 4 : i64, tpu.core_type = #tpu.core_type<sc_vector_subcore>, window_params = [{transform_indices = #map}, {transform_indices = #map1}, {transform_indices = #map}]} {
    %mul3A = arith.constant 2 : i32
    %mul3A_0 = arith.muli %arg1, %mul3A : i32
    %add3A = arith.addi %mul3A_0, %arg0 : i32
    %mul3A_1 = arith.constant 512 : i32
    %mul3A_2 = arith.muli %add3A, %mul3A_1 : i32
    "tpu.region"() ({
      %run_scoped3A = tpu.sem_alloc : memref<!tpu.dma_semaphore, #tpu.memory_space<semaphore_mem>>
      %dma_start3A_250 = tpu.memref_slice %arg3[%mul3A_2] : memref<16384xi32, #tpu.memory_space<hbm>> -> memref<512xi32, #tpu.memory_space<hbm>>
      %dma_start3A_251 = tpu.memref_slice %arg3[%mul3A_2] : memref<16384xi32, #tpu.memory_space<hbm>> -> memref<512xi32, #tpu.memory_space<hbm>>
      tpu.enqueue_dma source(%dma_start3A_251 : memref<512xi32, #tpu.memory_space<hbm>>) target(%arg5 : memref<512xi32, #tpu.memory_space<vmem>>) target_semaphore(%run_scoped3A : memref<!tpu.dma_semaphore, #tpu.memory_space<semaphore_mem>>)
      %dma_wait3A_252 = tpu.memref_slice %arg3[%mul3A_2] : memref<16384xi32, #tpu.memory_space<hbm>> -> memref<512xi32, #tpu.memory_space<hbm>>
      %dma_wait3A_253 = tpu.memref_slice %arg3[%mul3A_2] : memref<16384xi32, #tpu.memory_space<hbm>> -> memref<512xi32, #tpu.memory_space<hbm>>
      tpu.wait_dma2 semaphore(%run_scoped3A : memref<!tpu.dma_semaphore, #tpu.memory_space<semaphore_mem>>) src(%dma_wait3A_253 : memref<512xi32, #tpu.memory_space<hbm>>) dst(%arg5 : memref<512xi32, #tpu.memory_space<vmem>>)
      tpu.yield
    }) : () -> ()
    %iota3A = tpu.iota {dimensions = array<i32: 0>} : vector<16xi32>
    %mul3A_3 = arith.constant 4 : i32
    %mul3A_4 = vector.broadcast %mul3A_3 : i32 to vector<16xi32>
    %mul3A_5 = arith.muli %iota3A, %mul3A_4 : vector<16xi32>
    %add3A_6 = arith.constant 0 : i32
    %add3A_7 = vector.broadcast %add3A_6 : i32 to vector<16xi32>
    %add3A_8 = arith.addi %mul3A_5, %add3A_7 : vector<16xi32>
    %gather3A = tpu.vector_load_idx %arg5[%add3A_8] : memref<512xi32, #tpu.memory_space<vmem>>[vector<16xi32>], vector<16xi32>,
    %add3A_9 = arith.constant 1 : i32
    %add3A_10 = vector.broadcast %add3A_9 : i32 to vector<16xi32>
    %add3A_11 = arith.addi %mul3A_5, %add3A_10 : vector<16xi32>
    %gather3A_12 = tpu.vector_load_idx %arg5[%add3A_11] : memref<512xi32, #tpu.memory_space<vmem>>[vector<16xi32>], vector<16xi32>,
    %add3A_13 = arith.constant 2 : i32
    %add3A_14 = vector.broadcast %add3A_13 : i32 to vector<16xi32>
    %add3A_15 = arith.addi %mul3A_5, %add3A_14 : vector<16xi32>
    %gather3A_16 = tpu.vector_load_idx %arg5[%add3A_15] : memref<512xi32, #tpu.memory_space<vmem>>[vector<16xi32>], vector<16xi32>,
    %add3A_17 = arith.constant 3 : i32
    %add3A_18 = vector.broadcast %add3A_17 : i32 to vector<16xi32>
    %add3A_19 = arith.addi %mul3A_5, %add3A_18 : vector<16xi32>
    %gather3A_20 = tpu.vector_load_idx %arg5[%add3A_19] : memref<512xi32, #tpu.memory_space<vmem>>[vector<16xi32>], vector<16xi32>,
    %mul3A_21 = arith.constant 64 : i32
    %mul3A_22 = vector.broadcast %mul3A_21 : i32 to vector<16xi32>
    %mul3A_23 = arith.muli %gather3A, %mul3A_22 : vector<16xi32>
    %mul3A_24 = arith.constant 16 : i32
    %mul3A_25 = vector.broadcast %mul3A_24 : i32 to vector<16xi32>
    %mul3A_26 = arith.muli %gather3A_12, %mul3A_25 : vector<16xi32>
    %add3A_27 = arith.addi %mul3A_23, %mul3A_26 : vector<16xi32>
    %mul3A_28 = arith.constant 4 : i32
    %mul3A_29 = vector.broadcast %mul3A_28 : i32 to vector<16xi32>
    %mul3A_30 = arith.muli %gather3A_16, %mul3A_29 : vector<16xi32>
    %add3A_31 = arith.addi %add3A_27, %mul3A_30 : vector<16xi32>
    %add3A_32 = arith.addi %add3A_31, %gather3A_20 : vector<16xi32>
    %swap3A = arith.constant 0 : index
    %swap3A_33 = tpu.vector_load %arg6[%swap3A] {strides = array<i32>} : memref<128xi32, #tpu.memory_space<vmem>>, vector<16xi32>,
    tpu.vector_store %arg6[%swap3A], %add3A_32 {strides = array<i32>} : memref<128xi32, #tpu.memory_space<vmem>>, vector<16xi32>,
    %add3A_34 = arith.constant 64 : i32
    %add3A_35 = vector.broadcast %add3A_34 : i32 to vector<16xi32>
    %add3A_36 = arith.addi %mul3A_5, %add3A_35 : vector<16xi32>
    %gather3A_37 = tpu.vector_load_idx %arg5[%add3A_36] : memref<512xi32, #tpu.memory_space<vmem>>[vector<16xi32>], vector<16xi32>,
    %add3A_38 = arith.constant 65 : i32
    %add3A_39 = vector.broadcast %add3A_38 : i32 to vector<16xi32>
    %add3A_40 = arith.addi %mul3A_5, %add3A_39 : vector<16xi32>
    %gather3A_41 = tpu.vector_load_idx %arg5[%add3A_40] : memref<512xi32, #tpu.memory_space<vmem>>[vector<16xi32>], vector<16xi32>,
    %add3A_42 = arith.constant 66 : i32
    %add3A_43 = vector.broadcast %add3A_42 : i32 to vector<16xi32>
    %add3A_44 = arith.addi %mul3A_5, %add3A_43 : vector<16xi32>
    %gather3A_45 = tpu.vector_load_idx %arg5[%add3A_44] : memref<512xi32, #tpu.memory_space<vmem>>[vector<16xi32>], vector<16xi32>,
    %add3A_46 = arith.constant 67 : i32
    %add3A_47 = vector.broadcast %add3A_46 : i32 to vector<16xi32>
    %add3A_48 = arith.addi %mul3A_5, %add3A_47 : vector<16xi32>
    %gather3A_49 = tpu.vector_load_idx %arg5[%add3A_48] : memref<512xi32, #tpu.memory_space<vmem>>[vector<16xi32>], vector<16xi32>,
    %mul3A_50 = arith.constant 64 : i32
    %mul3A_51 = vector.broadcast %mul3A_50 : i32 to vector<16xi32>
    %mul3A_52 = arith.muli %gather3A_37, %mul3A_51 : vector<16xi32>
    %mul3A_53 = arith.constant 16 : i32
    %mul3A_54 = vector.broadcast %mul3A_53 : i32 to vector<16xi32>
    %mul3A_55 = arith.muli %gather3A_41, %mul3A_54 : vector<16xi32>
    %add3A_56 = arith.addi %mul3A_52, %mul3A_55 : vector<16xi32>
    %mul3A_57 = arith.constant 4 : i32
    %mul3A_58 = vector.broadcast %mul3A_57 : i32 to vector<16xi32>
    %mul3A_59 = arith.muli %gather3A_45, %mul3A_58 : vector<16xi32>
    %add3A_60 = arith.addi %add3A_56, %mul3A_59 : vector<16xi32>
    %add3A_61 = arith.addi %add3A_60, %gather3A_49 : vector<16xi32>
    %swap3A_62 = arith.constant 16 : index
    %swap3A_63 = tpu.vector_load %arg6[%swap3A_62] {strides = array<i32>} : memref<128xi32, #tpu.memory_space<vmem>>, vector<16xi32>,
    tpu.vector_store %arg6[%swap3A_62], %add3A_61 {strides = array<i32>} : memref<128xi32, #tpu.memory_space<vmem>>, vector<16xi32>,
    %add3A_64 = arith.constant 128 : i32
    %add3A_65 = vector.broadcast %add3A_64 : i32 to vector<16xi32>
    %add3A_66 = arith.addi %mul3A_5, %add3A_65 : vector<16xi32>
    %gather3A_67 = tpu.vector_load_idx %arg5[%add3A_66] : memref<512xi32, #tpu.memory_space<vmem>>[vector<16xi32>], vector<16xi32>,
    %add3A_68 = arith.constant 129 : i32
    %add3A_69 = vector.broadcast %add3A_68 : i32 to vector<16xi32>
    %add3A_70 = arith.addi %mul3A_5, %add3A_69 : vector<16xi32>
    %gather3A_71 = tpu.vector_load_idx %arg5[%add3A_70] : memref<512xi32, #tpu.memory_space<vmem>>[vector<16xi32>], vector<16xi32>,
    %add3A_72 = arith.constant 130 : i32
    %add3A_73 = vector.broadcast %add3A_72 : i32 to vector<16xi32>
    %add3A_74 = arith.addi %mul3A_5, %add3A_73 : vector<16xi32>
    %gather3A_75 = tpu.vector_load_idx %arg5[%add3A_74] : memref<512xi32, #tpu.memory_space<vmem>>[vector<16xi32>], vector<16xi32>,
    %add3A_76 = arith.constant 131 : i32
    %add3A_77 = vector.broadcast %add3A_76 : i32 to vector<16xi32>
    %add3A_78 = arith.addi %mul3A_5, %add3A_77 : vector<16xi32>
    %gather3A_79 = tpu.vector_load_idx %arg5[%add3A_78] : memref<512xi32, #tpu.memory_space<vmem>>[vector<16xi32>], vector<16xi32>,
    %mul3A_80 = arith.constant 64 : i32
    %mul3A_81 = vector.broadcast %mul3A_80 : i32 to vector<16xi32>
    %mul3A_82 = arith.muli %gather3A_67, %mul3A_81 : vector<16xi32>
    %mul3A_83 = arith.constant 16 : i32
    %mul3A_84 = vector.broadcast %mul3A_83 : i32 to vector<16xi32>
    %mul3A_85 = arith.muli %gather3A_71, %mul3A_84 : vector<16xi32>
    %add3A_86 = arith.addi %mul3A_82, %mul3A_85 : vector<16xi32>
    %mul3A_87 = arith.constant 4 : i32
    %mul3A_88 = vector.broadcast %mul3A_87 : i32 to vector<16xi32>
    %mul3A_89 = arith.muli %gather3A_75, %mul3A_88 : vector<16xi32>
    %add3A_90 = arith.addi %add3A_86, %mul3A_89 : vector<16xi32>
    %add3A_91 = arith.addi %add3A_90, %gather3A_79 : vector<16xi32>
    %swap3A_92 = arith.constant 32 : index
    %swap3A_93 = tpu.vector_load %arg6[%swap3A_92] {strides = array<i32>} : memref<128xi32, #tpu.memory_space<vmem>>, vector<16xi32>,
    tpu.vector_store %arg6[%swap3A_92], %add3A_91 {strides = array<i32>} : memref<128xi32, #tpu.memory_space<vmem>>, vector<16xi32>,
    %add3A_94 = arith.constant 192 : i32
    %add3A_95 = vector.broadcast %add3A_94 : i32 to vector<16xi32>
    %add3A_96 = arith.addi %mul3A_5, %add3A_95 : vector<16xi32>
    %gather3A_97 = tpu.vector_load_idx %arg5[%add3A_96] : memref<512xi32, #tpu.memory_space<vmem>>[vector<16xi32>], vector<16xi32>,
    %add3A_98 = arith.constant 193 : i32
    %add3A_99 = vector.broadcast %add3A_98 : i32 to vector<16xi32>
    %add3A_100 = arith.addi %mul3A_5, %add3A_99 : vector<16xi32>
    %gather3A_101 = tpu.vector_load_idx %arg5[%add3A_100] : memref<512xi32, #tpu.memory_space<vmem>>[vector<16xi32>], vector<16xi32>,
    %add3A_102 = arith.constant 194 : i32
    %add3A_103 = vector.broadcast %add3A_102 : i32 to vector<16xi32>
    %add3A_104 = arith.addi %mul3A_5, %add3A_103 : vector<16xi32>
    %gather3A_105 = tpu.vector_load_idx %arg5[%add3A_104] : memref<512xi32, #tpu.memory_space<vmem>>[vector<16xi32>], vector<16xi32>,
    %add3A_106 = arith.constant 195 : i32
    %add3A_107 = vector.broadcast %add3A_106 : i32 to vector<16xi32>
    %add3A_108 = arith.addi %mul3A_5, %add3A_107 : vector<16xi32>
    %gather3A_109 = tpu.vector_load_idx %arg5[%add3A_108] : memref<512xi32, #tpu.memory_space<vmem>>[vector<16xi32>], vector<16xi32>,
    %mul3A_110 = arith.constant 64 : i32
    %mul3A_111 = vector.broadcast %mul3A_110 : i32 to vector<16xi32>
    %mul3A_112 = arith.muli %gather3A_97, %mul3A_111 : vector<16xi32>
    %mul3A_113 = arith.constant 16 : i32
    %mul3A_114 = vector.broadcast %mul3A_113 : i32 to vector<16xi32>
    %mul3A_115 = arith.muli %gather3A_101, %mul3A_114 : vector<16xi32>
    %add3A_116 = arith.addi %mul3A_112, %mul3A_115 : vector<16xi32>
    %mul3A_117 = arith.constant 4 : i32
    %mul3A_118 = vector.broadcast %mul3A_117 : i32 to vector<16xi32>
    %mul3A_119 = arith.muli %gather3A_105, %mul3A_118 : vector<16xi32>
    %add3A_120 = arith.addi %add3A_116, %mul3A_119 : vector<16xi32>
    %add3A_121 = arith.addi %add3A_120, %gather3A_109 : vector<16xi32>
    %swap3A_122 = arith.constant 48 : index
    %swap3A_123 = tpu.vector_load %arg6[%swap3A_122] {strides = array<i32>} : memref<128xi32, #tpu.memory_space<vmem>>, vector<16xi32>,
    tpu.vector_store %arg6[%swap3A_122], %add3A_121 {strides = array<i32>} : memref<128xi32, #tpu.memory_space<vmem>>, vector<16xi32>,
    %add3A_124 = arith.constant 256 : i32
    %add3A_125 = vector.broadcast %add3A_124 : i32 to vector<16xi32>
    %add3A_126 = arith.addi %mul3A_5, %add3A_125 : vector<16xi32>
    %gather3A_127 = tpu.vector_load_idx %arg5[%add3A_126] : memref<512xi32, #tpu.memory_space<vmem>>[vector<16xi32>], vector<16xi32>,
    %add3A_128 = arith.constant 257 : i32
    %add3A_129 = vector.broadcast %add3A_128 : i32 to vector<16xi32>
    %add3A_130 = arith.addi %mul3A_5, %add3A_129 : vector<16xi32>
    %gather3A_131 = tpu.vector_load_idx %arg5[%add3A_130] : memref<512xi32, #tpu.memory_space<vmem>>[vector<16xi32>], vector<16xi32>,
    %add3A_132 = arith.constant 258 : i32
    %add3A_133 = vector.broadcast %add3A_132 : i32 to vector<16xi32>
    %add3A_134 = arith.addi %mul3A_5, %add3A_133 : vector<16xi32>
    %gather3A_135 = tpu.vector_load_idx %arg5[%add3A_134] : memref<512xi32, #tpu.memory_space<vmem>>[vector<16xi32>], vector<16xi32>,
    %add3A_136 = arith.constant 259 : i32
    %add3A_137 = vector.broadcast %add3A_136 : i32 to vector<16xi32>
    %add3A_138 = arith.addi %mul3A_5, %add3A_137 : vector<16xi32>
    %gather3A_139 = tpu.vector_load_idx %arg5[%add3A_138] : memref<512xi32, #tpu.memory_space<vmem>>[vector<16xi32>], vector<16xi32>,
    %mul3A_140 = arith.constant 64 : i32
    %mul3A_141 = vector.broadcast %mul3A_140 : i32 to vector<16xi32>
    %mul3A_142 = arith.muli %gather3A_127, %mul3A_141 : vector<16xi32>
    %mul3A_143 = arith.constant 16 : i32
    %mul3A_144 = vector.broadcast %mul3A_143 : i32 to vector<16xi32>
    %mul3A_145 = arith.muli %gather3A_131, %mul3A_144 : vector<16xi32>
    %add3A_146 = arith.addi %mul3A_142, %mul3A_145 : vector<16xi32>
    %mul3A_147 = arith.constant 4 : i32
    %mul3A_148 = vector.broadcast %mul3A_147 : i32 to vector<16xi32>
    %mul3A_149 = arith.muli %gather3A_135, %mul3A_148 : vector<16xi32>
    %add3A_150 = arith.addi %add3A_146, %mul3A_149 : vector<16xi32>
    %add3A_151 = arith.addi %add3A_150, %gather3A_139 : vector<16xi32>
    %swap3A_152 = arith.constant 64 : index
    %swap3A_153 = tpu.vector_load %arg6[%swap3A_152] {strides = array<i32>} : memref<128xi32, #tpu.memory_space<vmem>>, vector<16xi32>,
    tpu.vector_store %arg6[%swap3A_152], %add3A_151 {strides = array<i32>} : memref<128xi32, #tpu.memory_space<vmem>>, vector<16xi32>,
    %add3A_154 = arith.constant 320 : i32
    %add3A_155 = vector.broadcast %add3A_154 : i32 to vector<16xi32>
    %add3A_156 = arith.addi %mul3A_5, %add3A_155 : vector<16xi32>
    %gather3A_157 = tpu.vector_load_idx %arg5[%add3A_156] : memref<512xi32, #tpu.memory_space<vmem>>[vector<16xi32>], vector<16xi32>,
    %add3A_158 = arith.constant 321 : i32
    %add3A_159 = vector.broadcast %add3A_158 : i32 to vector<16xi32>
    %add3A_160 = arith.addi %mul3A_5, %add3A_159 : vector<16xi32>
    %gather3A_161 = tpu.vector_load_idx %arg5[%add3A_160] : memref<512xi32, #tpu.memory_space<vmem>>[vector<16xi32>], vector<16xi32>,
    %add3A_162 = arith.constant 322 : i32
    %add3A_163 = vector.broadcast %add3A_162 : i32 to vector<16xi32>
    %add3A_164 = arith.addi %mul3A_5, %add3A_163 : vector<16xi32>
    %gather3A_165 = tpu.vector_load_idx %arg5[%add3A_164] : memref<512xi32, #tpu.memory_space<vmem>>[vector<16xi32>], vector<16xi32>,
    %add3A_166 = arith.constant 323 : i32
    %add3A_167 = vector.broadcast %add3A_166 : i32 to vector<16xi32>
    %add3A_168 = arith.addi %mul3A_5, %add3A_167 : vector<16xi32>
    %gather3A_169 = tpu.vector_load_idx %arg5[%add3A_168] : memref<512xi32, #tpu.memory_space<vmem>>[vector<16xi32>], vector<16xi32>,
    %mul3A_170 = arith.constant 64 : i32
    %mul3A_171 = vector.broadcast %mul3A_170 : i32 to vector<16xi32>
    %mul3A_172 = arith.muli %gather3A_157, %mul3A_171 : vector<16xi32>
    %mul3A_173 = arith.constant 16 : i32
    %mul3A_174 = vector.broadcast %mul3A_173 : i32 to vector<16xi32>
    %mul3A_175 = arith.muli %gather3A_161, %mul3A_174 : vector<16xi32>
    %add3A_176 = arith.addi %mul3A_172, %mul3A_175 : vector<16xi32>
    %mul3A_177 = arith.constant 4 : i32
    %mul3A_178 = vector.broadcast %mul3A_177 : i32 to vector<16xi32>
    %mul3A_179 = arith.muli %gather3A_165, %mul3A_178 : vector<16xi32>
    %add3A_180 = arith.addi %add3A_176, %mul3A_179 : vector<16xi32>
    %add3A_181 = arith.addi %add3A_180, %gather3A_169 : vector<16xi32>
    %swap3A_182 = arith.constant 80 : index
    %swap3A_183 = tpu.vector_load %arg6[%swap3A_182] {strides = array<i32>} : memref<128xi32, #tpu.memory_space<vmem>>, vector<16xi32>,
    tpu.vector_store %arg6[%swap3A_182], %add3A_181 {strides = array<i32>} : memref<128xi32, #tpu.memory_space<vmem>>, vector<16xi32>,
    %add3A_184 = arith.constant 384 : i32
    %add3A_185 = vector.broadcast %add3A_184 : i32 to vector<16xi32>
    %add3A_186 = arith.addi %mul3A_5, %add3A_185 : vector<16xi32>
    %gather3A_187 = tpu.vector_load_idx %arg5[%add3A_186] : memref<512xi32, #tpu.memory_space<vmem>>[vector<16xi32>], vector<16xi32>,
    %add3A_188 = arith.constant 385 : i32
    %add3A_189 = vector.broadcast %add3A_188 : i32 to vector<16xi32>
    %add3A_190 = arith.addi %mul3A_5, %add3A_189 : vector<16xi32>
    %gather3A_191 = tpu.vector_load_idx %arg5[%add3A_190] : memref<512xi32, #tpu.memory_space<vmem>>[vector<16xi32>], vector<16xi32>,
    %add3A_192 = arith.constant 386 : i32
    %add3A_193 = vector.broadcast %add3A_192 : i32 to vector<16xi32>
    %add3A_194 = arith.addi %mul3A_5, %add3A_193 : vector<16xi32>
    %gather3A_195 = tpu.vector_load_idx %arg5[%add3A_194] : memref<512xi32, #tpu.memory_space<vmem>>[vector<16xi32>], vector<16xi32>,
    %add3A_196 = arith.constant 387 : i32
    %add3A_197 = vector.broadcast %add3A_196 : i32 to vector<16xi32>
    %add3A_198 = arith.addi %mul3A_5, %add3A_197 : vector<16xi32>
    %gather3A_199 = tpu.vector_load_idx %arg5[%add3A_198] : memref<512xi32, #tpu.memory_space<vmem>>[vector<16xi32>], vector<16xi32>,
    %mul3A_200 = arith.constant 64 : i32
    %mul3A_201 = vector.broadcast %mul3A_200 : i32 to vector<16xi32>
    %mul3A_202 = arith.muli %gather3A_187, %mul3A_201 : vector<16xi32>
    %mul3A_203 = arith.constant 16 : i32
    %mul3A_204 = vector.broadcast %mul3A_203 : i32 to vector<16xi32>
    %mul3A_205 = arith.muli %gather3A_191, %mul3A_204 : vector<16xi32>
    %add3A_206 = arith.addi %mul3A_202, %mul3A_205 : vector<16xi32>
    %mul3A_207 = arith.constant 4 : i32
    %mul3A_208 = vector.broadcast %mul3A_207 : i32 to vector<16xi32>
    %mul3A_209 = arith.muli %gather3A_195, %mul3A_208 : vector<16xi32>
    %add3A_210 = arith.addi %add3A_206, %mul3A_209 : vector<16xi32>
    %add3A_211 = arith.addi %add3A_210, %gather3A_199 : vector<16xi32>
    %swap3A_212 = arith.constant 96 : index
    %swap3A_213 = tpu.vector_load %arg6[%swap3A_212] {strides = array<i32>} : memref<128xi32, #tpu.memory_space<vmem>>, vector<16xi32>,
    tpu.vector_store %arg6[%swap3A_212], %add3A_211 {strides = array<i32>} : memref<128xi32, #tpu.memory_space<vmem>>, vector<16xi32>,
    %add3A_214 = arith.constant 448 : i32
    %add3A_215 = vector.broadcast %add3A_214 : i32 to vector<16xi32>
    %add3A_216 = arith.addi %mul3A_5, %add3A_215 : vector<16xi32>
    %gather3A_217 = tpu.vector_load_idx %arg5[%add3A_216] : memref<512xi32, #tpu.memory_space<vmem>>[vector<16xi32>], vector<16xi32>,
    %add3A_218 = arith.constant 449 : i32
    %add3A_219 = vector.broadcast %add3A_218 : i32 to vector<16xi32>
    %add3A_220 = arith.addi %mul3A_5, %add3A_219 : vector<16xi32>
    %gather3A_221 = tpu.vector_load_idx %arg5[%add3A_220] : memref<512xi32, #tpu.memory_space<vmem>>[vector<16xi32>], vector<16xi32>,
    %add3A_222 = arith.constant 450 : i32
    %add3A_223 = vector.broadcast %add3A_222 : i32 to vector<16xi32>
    %add3A_224 = arith.addi %mul3A_5, %add3A_223 : vector<16xi32>
    %gather3A_225 = tpu.vector_load_idx %arg5[%add3A_224] : memref<512xi32, #tpu.memory_space<vmem>>[vector<16xi32>], vector<16xi32>,
    %add3A_226 = arith.constant 451 : i32
    %add3A_227 = vector.broadcast %add3A_226 : i32 to vector<16xi32>
    %add3A_228 = arith.addi %mul3A_5, %add3A_227 : vector<16xi32>
    %gather3A_229 = tpu.vector_load_idx %arg5[%add3A_228] : memref<512xi32, #tpu.memory_space<vmem>>[vector<16xi32>], vector<16xi32>,
    %mul3A_230 = arith.constant 64 : i32
    %mul3A_231 = vector.broadcast %mul3A_230 : i32 to vector<16xi32>
    %mul3A_232 = arith.muli %gather3A_217, %mul3A_231 : vector<16xi32>
    %mul3A_233 = arith.constant 16 : i32
    %mul3A_234 = vector.broadcast %mul3A_233 : i32 to vector<16xi32>
    %mul3A_235 = arith.muli %gather3A_221, %mul3A_234 : vector<16xi32>
    %add3A_236 = arith.addi %mul3A_232, %mul3A_235 : vector<16xi32>
    %mul3A_237 = arith.constant 4 : i32
    %mul3A_238 = vector.broadcast %mul3A_237 : i32 to vector<16xi32>
    %mul3A_239 = arith.muli %gather3A_225, %mul3A_238 : vector<16xi32>
    %add3A_240 = arith.addi %add3A_236, %mul3A_239 : vector<16xi32>
    %add3A_241 = arith.addi %add3A_240, %gather3A_229 : vector<16xi32>
    %swap3A_242 = arith.constant 112 : index
    %swap3A_243 = tpu.vector_load %arg6[%swap3A_242] {strides = array<i32>} : memref<128xi32, #tpu.memory_space<vmem>>, vector<16xi32>,
    tpu.vector_store %arg6[%swap3A_242], %add3A_241 {strides = array<i32>} : memref<128xi32, #tpu.memory_space<vmem>>, vector<16xi32>,
    %dma_start3A = arith.constant 0 : i32
    %dma_start3A_244 = arith.constant 0 : i32
    %dma_start3A_245 = tpu.memref_slice %arg2[%dma_start3A, %dma_start3A_244] : memref<256x256xf32, #tpu.memory_space<hbm>> -> memref<256x256xf32, #tpu.memory_space<hbm>>
    tpu.enqueue_indirect_dma source(%dma_start3A_245 : memref<256x256xf32, #tpu.memory_space<hbm>>) target(%arg7 : memref<128x256xf32, #tpu.memory_space<vmem>>) offsets(%arg6 : memref<128xi32, #tpu.memory_space<vmem>>) semaphore(%arg8 : memref<!tpu.dma_semaphore, #tpu.memory_space<semaphore_mem>>)
    %dma_wait3A = arith.constant 0 : i32
    %dma_wait3A_246 = arith.constant 0 : i32
    %dma_wait3A_247 = tpu.memref_slice %arg2[%dma_wait3A, %dma_wait3A_246] : memref<256x256xf32, #tpu.memory_space<hbm>> -> memref<256x256xf32, #tpu.memory_space<hbm>>
    tpu.wait_indirect_dma semaphore(%arg8 : memref<!tpu.dma_semaphore, #tpu.memory_space<semaphore_mem>>) src(%dma_wait3A_247 : memref<256x256xf32, #tpu.memory_space<hbm>>) dst(%arg7 : memref<128x256xf32, #tpu.memory_space<vmem>>)
    %mul3A_248 = arith.constant 128 : i32
    %mul3A_249 = arith.muli %add3A, %mul3A_248 : i32
    "tpu.region"() ({
      %run_scoped3A = tpu.sem_alloc : memref<!tpu.dma_semaphore, #tpu.memory_space<semaphore_mem>>
      %dma_start3A_250 = arith.constant 0 : i32
      %dma_start3A_251 = tpu.memref_slice %arg4[%mul3A_249, %dma_start3A_250] : memref<4096x256xf32, #tpu.memory_space<hbm>> -> memref<128x256xf32, #tpu.memory_space<hbm>>
      %dma_start3A_252 = arith.constant 0 : i32
      %dma_start3A_253 = tpu.memref_slice %arg4[%mul3A_249, %dma_start3A_252] : memref<4096x256xf32, #tpu.memory_space<hbm>> -> memref<128x256xf32, #tpu.memory_space<hbm>>
      tpu.enqueue_dma source(%arg7 : memref<128x256xf32, #tpu.memory_space<vmem>>) target(%dma_start3A_253 : memref<128x256xf32, #tpu.memory_space<hbm>>) target_semaphore(%run_scoped3A : memref<!tpu.dma_semaphore, #tpu.memory_space<semaphore_mem>>)
      %dma_wait3A_254 = arith.constant 0 : i32
      %dma_wait3A_255 = tpu.memref_slice %arg4[%mul3A_249, %dma_wait3A_254] : memref<4096x256xf32, #tpu.memory_space<hbm>> -> memref<128x256xf32, #tpu.memory_space<hbm>>
      %dma_wait3A_256 = arith.constant 0 : i32
      %dma_wait3A_257 = tpu.memref_slice %arg4[%mul3A_249, %dma_wait3A_256] : memref<4096x256xf32, #tpu.memory_space<hbm>> -> memref<128x256xf32, #tpu.memory_space<hbm>>
      tpu.wait_dma2 semaphore(%run_scoped3A : memref<!tpu.dma_semaphore, #tpu.memory_space<semaphore_mem>>) src(%arg7 : memref<128x256xf32, #tpu.memory_space<vmem>>) dst(%dma_wait3A_257 : memref<128x256xf32, #tpu.memory_space<hbm>>)
      tpu.yield
    }) : () -> ()
    return
  }
}

</mosaic_0001>

<sc_bundles>
// kernel: kernel.3.cloned.1.call-start
scs
__scs_entry_jumppad:
0x0: {  	(pc) =	sbr.rel $0x88, $3  }
0x1: {  	(tag) =	ssettag $0x0;
	lr =	simm.s32 $0x1  }
0x2: {  	[smem:$0x3F9F] =	sst lr;
	_ =	strace $0xD0000000  }
0x3: {  	_ = 	snop  }
0x4: {  	_ = 	snop  }
0x5: {  	_ = 	snop  }
0x6: {  	_ = 	snop  }
0x7: {  	_ = 	snop  }
__scs_overlays_trampoline_lowered:
0x8: {  	[smem:$0x3FAE] =	sst s0  }
0x9: {  	[smem:$0x3FAF] =	sst s1  }
0xa: {  	[smem:$0x3FB0] =	sst s2  }
0xb: {  	[smem:$0x3FB1] =	sst s3  }
0xc: {  	[smem:$0x3FB2] =	sst s4  }
0xd: {  	[smem:$0x3FB3] =	sst s5  }
0xe: {  	[smem:$0x3FB4] =	sst s6  }
0xf: {  	[smem:$0x3FB5] =	sst s7  }
0x10: {  	[smem:$0x3FB6] =	sst s8  }
0x11: {  	[smem:$0x3FB7] =	sst s9;
	s0 =	simm.s32 @!p0 $0x0  }
0x12: {  	s1 =	sld [smem:$0x3F9D];
	s0 =	simm.s32 @p0 $0x1  }
0x13: {  	[smem:$0x3FB8] =	sst s0;
	s0 =	simm.s32 @!p1 $0x0  }
0x14: {  	s2 =	sld [smem:$0x3F9C];
	s0 =	simm.s32 @p1 $0x1  }
0x15: {  	[smem:$0x3FB9] =	sst s0;
	s0 =	simm.s32 @!p2 $0x0  }
0x16: {  	s3 =	sld [smem:$0x3FDB];
	s0 =	simm.s32 @p2 $0x1  }
0x17: {  	s4 =	simm.s32 $0x1BF5;
	[smem:$0x3FBB] =	sst s0  }
0x18: {  	s0 =	sld [smem:$0x3F9E];
	_ =	swait.ge [sflag:s4], $0x0  }
0x19: {  	s7 =	sld [smem:$0x3F9F]  }
0x1a: {  	s8 =	sadd.s32 $0xFFFFE003, lr  }
0x1b: {  	s9 =	sadd.s32 $0xFFFFFEF7, lr;
	s5 =	simm.s32 $0xFFFFFFFF;
	p2 =	slt.u32 s8, $0xFFFFF086  }
0x1c: {  	p1 =	slt.u32 s9, $0xF7A;
	s5 =	simm.s32 @!p2 $0x0  }
0x1d: {  	s5 =	simm.s32 @p1 $0x1;
	p0 =	seq.s32 s7, s2  }
0x1e: {  	s7 =	smul.u32 @!p0 $0xF7A, s2;
	p2 =	seq.s32 @!p0 s5, $0x0  }
0x1f: {  	s9 =	smul.u32 $0xF7A, s1;
	s8 =	simm.s32 @!p0 $0x1BF5;
	p2 =	por !p2, p0  }
0x20: {  	[sflag:s8] =	ssyncset.s32 @!p0 $0xFFFFF086;
	s6 =	sadd.s32 @!p0 s3, s7;
	s7 =	simm.s32 @!p0 $0x108  }
0x21: {  	s3 =	sadd.s32 s3, s9;
	s6 =	sadd.s32 @!p0 $0x88, s6;
	s7 =	simm.s32 @p2 $0x1082  }
0x22: {  	[simem:s7], [sflag:s8] =	dma.local @!p0 [hbm:s6], $0xF7A  }
0x23: {  	s9 =	sor.u32 $0xD0000000, s2;
	s6 =	simm.s32 $0x108;
	_ =	swait.ge @!p0 [sflag:s8], $0x0  }
0x24: {  	s3 =	sadd.s32 $0x88, s3;
	s6 =	simm.s32 @!p1 $0x1082;
	[sflag:s4] =	ssyncset.s32 $0xFFFFF086  }
0x25: {  	[simem:s6], [sflag:s4] =	dma.local [hbm:s3], $0xF7A  }
0x26: {  	[smem:$0x3F9F] =	sst s1;
	(tag) =	ssettag s2;
	_ =	strace s9  }
0x27: {  	s1 =	sld [smem:$0x3FAF]  }
0x28: {  	s2 =	sld [smem:$0x3FB0]  }
0x29: {  	s4 =	sld [smem:$0x3FB2]  }
0x2a: {  	p0 =	seq.s32 s5, $0x0;
	s5 =	sld [smem:$0x3FB3]  }
0x2b: {  	s6 =	sld [smem:$0x3FB4]  }
0x2c: {  	s7 =	sld [smem:$0x3FB5]  }
0x2d: {  	s3 =	simm.s32 $0x108;
	s8 =	sld [smem:$0x3FB6]  }
0x2e: {  	s3 =	simm.s32 @!p0 $0x1082;
	s9 =	sld [smem:$0x3FB7]  }
0x2f: {  	lr =	sadd.s32 s0, s3;
	s0 =	sld [smem:$0x3FAE]  }
0x30: {  	s3 =	sld [smem:$0x3FB1]  }
0x31: {  	[smem:$0x3FBA] =	sst s10  }
0x32: {  	s10 =	sld [smem:$0x3FB8];
	_ =	sdelay $0x3  }
0x33: {  	p0 =	seq.s32 s10, $0x1;
	s10 =	sld [smem:$0x3FBA];
	_ =	sdelay $0x3  }
0x34: {  	[smem:$0x3FBA] =	sst s10  }
0x35: {  	s10 =	sld [smem:$0x3FB9];
	_ =	sdelay $0x3  }
0x36: {  	p1 =	seq.s32 s10, $0x1;
	s10 =	sld [smem:$0x3FBA];
	_ =	sdelay $0x3  }
0x37: {  	[smem:$0x3FBA] =	sst s10  }
0x38: {  	s10 =	sld [smem:$0x3FBB]  }
0x39: {  	_ = 	snop;
	(pc) =	sbr.ind lr, $3  }
0x3a: {  	_ = 	snop  }
0x3b: {  	_ = 	snop  }
0x3c: {  	p2 =	seq.s32 s10, $0x1;
	s10 =	sld [smem:$0x3FBA]  }
0x3d: {  	_ =	shalt  }
0x3e: {  	_ =	shalt  }
0x3f: {  	_ =	shalt  }
0x40: {  	_ =	shalt  }
0x41: {  	_ =	shalt  }
0x42: {  	_ =	shalt  }
0x43: {  	_ =	shalt  }
0x44: {  	_ =	shalt  }
0x45: {  	_ =	shalt  }
0x46: {  	_ =	shalt  }
0x47: {  	_ =	shalt  }
0x48: {  	_ =	shalt  }
0x49: {  	_ =	shalt  }
0x4a: {  	_ =	shalt  }
0x4b: {  	_ =	shalt  }
0x4c: {  	_ =	shalt  }
0x4d: {  	_ =	shalt  }
0x4e: {  	_ =	shalt  }
0x4f: {  	_ =	shalt  }
0x50: {  	_ =	shalt  }
0x51: {  	_ =	shalt  }
0x52: {  	_ =	shalt  }
0x53: {  	_ =	shalt  }
0x54: {  	_ =	shalt  }
0x55: {  	_ =	shalt  }
0x56: {  	_ =	shalt  }
0x57: {  	_ =	shalt  }
0x58: {  	_ =	shalt  }
0x59: {  	_ =	shalt  }
0x5a: {  	_ =	shalt  }
0x5b: {  	_ =	shalt  }
0x5c: {  	_ =	shalt  }
0x5d: {  	_ =	shalt  }
0x5e: {  	_ =	shalt  }
0x5f: {  	_ =	shalt  }
0x60: {  	_ =	shalt  }
0x61: {  	_ =	shalt  }
0x62: {  	_ =	shalt  }
0x63: {  	_ =	shalt  }
0x64: {  	_ =	shalt  }
0x65: {  	_ =	shalt  }
0x66: {  	_ =	shalt  }
0x67: {  	_ =	shalt  }
0x68: {  	_ =	shalt  }
0x69: {  	_ =	shalt  }
0x6a: {  	_ =	shalt  }
0x6b: {  	_ =	shalt  }
0x6c: {  	_ =	shalt  }
0x6d: {  	_ =	shalt  }
0x6e: {  	_ =	shalt  }
0x6f: {  	_ =	shalt  }
0x70: {  	_ =	shalt  }
0x71: {  	_ =	shalt  }
0x72: {  	_ =	shalt  }
0x73: {  	_ =	shalt  }
0x74: {  	_ =	shalt  }
0x75: {  	_ =	shalt  }
0x76: {  	_ =	shalt  }
0x77: {  	_ =	shalt  }
0x78: {  	_ =	shalt  }
0x79: {  	_ =	shalt  }
0x7a: {  	_ =	shalt  }
0x7b: {  	_ =	shalt  }
0x7c: {  	_ =	shalt  }
0x7d: {  	_ =	shalt  }
0x7e: {  	_ =	shalt  }
0x7f: {  	_ =	shalt  }
0x80: {  	_ =	shalt  }
0x81: {  	_ =	shalt  }
0x82: {  	_ =	shalt  }
0x83: {  	_ =	shalt  }
0x84: {  	_ =	shalt  }
0x85: {  	_ =	shalt  }
0x86: {  	_ =	shalt  }
0x87: {  	_ =	shalt  }
.Lfunc_end0:
.L_simem_size_0:
called_computation_lowered:
.L_overlay_start_0:
0x88: {  	s2 =	sld [smem:$0x3FD9]  }
0x89: {  	s3 =	sld [smem:$0x3FFE];
	_ =	sdelay $0x1  }
0x8a: {  	s1 =	srdreg.scid  }
0x8b: {  	s0 =	sand.u32 $0x1, s1  }
0x8c: {  	s17 =	sshll.u32 s0, $0xA;
	s2 =	sadd.s32 s3, s2  }
0x8d: {  	s2 =	sadd.s32 s2, s17  }
0x8e: {  	[smem:$0x3FC6] =	sst s2  }
0x8f: {  	_ = 	snop  }
0x90: {  	s2 =	sld [smem:$0x3FC9]  }
0x91: {  	s18 =	sld [smem:$0x3FD0];
	(tm) =	ssettm $0x1  }
0x92: {  	s4 =	sld [smem:$0x3FFB];
	_ =	sdelay $0x3  }
0x93: {  	_ =	strace s4  }
0x94: {  	s4 =	sld [smem:$0x3FFC];
	_ =	sdelay $0x3  }
0x95: {  	_ =	strace s4  }
0x96: {  	s4 =	sld [smem:$0x3FFD];
	_ =	sdelay $0x3  }
0x97: {  	_ =	strace s4  }
0x98: {  	_ =	strace $0x8FFFFFFF  }
0x99: {  	s19 =	sld [smem:$0x3FDB];
	_ =	sdelay $0x1  }
0x9a: {  	s5 =	simm.s32 $_scs_section_size  }
0x9b: {  	s6 =	simm.s32 $_size__tile_overlayer_lowered;
	s7 =	simm.s32 $_tile_overlayer_lowered  }
0x9c: {  	s22 =	simm.s32 $0x1BFF;
	s21 =	sshll.u32 s7, $0x1;
	s4 =	sadd.s32 s5, s19  }
0x9d: {  	s8 =	simm.s32 $0x0;
	s20 =	sshll.u32 s6, $0x1;
	s6 =	sadd.s32 s21, s4  }
0x9e: {  	[timem:s8], [sflag:s22] =	dma.local [hbm:s6], s20  }
0x9f: {  	_ =	swait.ge [sflag:s22], s20  }
0xa0: {  	s5 =	ssub.s32 $0x0, s20;
	[sflag:s22] =	ssyncset.done $0x0  }
0xa1: {  	[sflag:s22] =	ssyncadd.s32 s5;
	_ =	sdelay $0x1  }
0xa2: {  	s23 =	simm.s32 $0x1B8B  }
0xa3: {  	_ =	swait.ge [sflag:s23], $0x1  }
0xa4: {  	[sflag:s23] =	ssyncset.done $0x0  }
0xa5: {  	s25 =	simm.s32 $0x1B8E;
	s24 =	sld [smem:$0x3FFE];
	[sflag:s23] =	ssyncadd.s32 $0xFFFFFFFF  }
0xa6: {  	s26 =	simm.s32 $execute0_lowered;
	[smem:$0x3FD2] =	sst s25  }
0xa7: {  	s6 =	sshll.u32 s26, $0x1;
	_ =	strace $0x80000046;
	[dreg:$0x1] =	wrdreg $0xFFFFFFFF  }
0xa8: {  	s28 =	simm.s32 $_size_execute0_lowered;
	s4 =	sadd.s32 s4, s6;
	[dreg:$0x0] =	wrdreg $0x0  }
0xa9: {  	s6 =	sshll.u32 s28, $0x1;
	[dreg:$0x2] =	wrdreg s4  }
0xaa: {  	[dreg:$0x3] =	wrdreg s6  }
0xab: {  	[dreg:$0x4] =	wrdreg $0xC0  }
0xac: {  	_ =	task [dreg:s8], $0x5FFFF  }
0xad: {  	[dreg:$0x1] =	wrdreg $0xFFFFFFFF  }
0xae: {  	[dreg:$0x0] =	wrdreg $0x60  }
0xaf: {  	[dreg:$0x2] =	wrdreg s24  }
0xb0: {  	[dreg:$0x3] =	wrdreg s2  }
0xb1: {  	[dreg:$0x4] =	wrdreg s18  }
0xb2: {  	[dreg:$0x5] =	wrdreg $0x9  }
0xb3: {  	_ =	task.clear_ibuf [dreg:s8], $0x6FFFF;
	_ =	strace $0x90000046  }
0xb4: {  	s29 =	simm.s32 $0x9;
	_ =	strace $0x80000048  }
0xb5: {  	_ =	swait.ge [sflag:s29], $0x1  }
0xb6: {  	[sflag:s29] =	ssyncadd.s32 $0xFFFFFFFF  }
0xb7: {  	_ =	strace $0x90000048  }
0xb8: {  	_ =	sfence  }
0xb9: {  	s30 =	sld [smem:$0x0];
	_ =	sdelay $0x2  }
0xba: {  	s31 =	sshll.u32 s1, $0xD;
	s1 =	sshrl.u32 s1, $0x2  }
0xbb: {  	s3 =	sand.u32 $0x4000, s31;
	s1 =	sadd.s32 s1, s30  }
0xbc: {  	s0 =	sor.u32 s3, s0;
	s1 =	sshll.u32 s1, $0x11  }
0xbd: {  	s0 =	sor.u32 s1, s0  }
0xbe: {  	s0 =	sadd.s32 $0x8F2B, s0  }
0xbf: {  	[sflag:s0] =	ssyncadd.remote.s32 $0x1  }
0xc0: {  	_ =	sfence.sel $0xFFFF  }
0xc1: {  	[dreg:$0x0] =	wrdreg $0xFFFFFFFF;
	(pc) =	sbr.abs _section_cstart, $3  }
0xc2: {  	[dreg:$0x1] =	wrdreg $0xFFFFFFFF  }
0xc3: {  	_ =	task.clear_ibuf [dreg:s8], $0x2FFFF;
	_ =	strace $0x9FFFFFFF  }
0xc4: {  	(tm) =	ssettm $0x7FFFFFFF  }
0xc5: {  	_ =	shalt  }
tec
execute0_lowered:
.L_overlay_start_1:
0x0: {  	(tag) =	ssettag $0x1  }
0x1: {  	s5 =	rddreg [dreg:$0x0]  }
0x2: {  	s3 =	rddreg [dreg:$0x1]  }
0x3: {  	s1 =	srdreg.scid;
	s0 =	stileid.u32  }
0x4: {  	s7 =	rddreg [dreg:$0x2];
	s8 =	sand.u32 $0x1, s1;
	s4 =	sshll.u32 s0, $0x1  }
0x5: {  	s2 =	simm.s32 $0x0;
	v0 =	vlaneseq.u32;
	s1 =	rddreg [dreg:$0x3];
	s6 =	sor.u32 s8, s4  }
0x6: {  	[smem:$0x7FF] =	sst s2;
	v0 =	vmul.u32 $0x4, v0;
	s4 =	sshll.u32 s6, $0x6  }
0x7: {  	_ =	strace $0x80000047;
	s4 =	sadd.s32 s3, s4;
	s3 =	simm.s32 $0x2  }
0x8: {  	v1 =	vor.u32 $0x1, v0;
	[tilespmem:s2], [sflag:$0x2] =	stream.linear.gather [hbm4b:s4+s2], $0x200, $0x38;
	[tilespmem:$0x8280] =	vst v63  }
0x9: {  	v2 =	vor.u32 $0x2, v0;
	_ =	swait.ge [sflag:s3], $0x200  }
0xa: {  	[sflag:s3] =	ssyncset.done $0x0  }
0xb: {  	v3 =	vor.u32 $0x3, v0;
	[sflag:s3] =	ssyncadd.s32 $0xFFFFFE00  }
0xc: {  	v5 =	vld.idx.msk [tilespmem:v0+s2+$0x0], $0xffff  }
0xd: {  	v6 =	vld.idx.msk [tilespmem:v1+s2+$0x0], $0xffff  }
0xe: {  	v7 =	vld.idx.msk [tilespmem:v2+s2+$0x0], $0xffff;
	_ =	sdelay $0x1  }
0xf: {  	v8 =	vld.idx.msk [tilespmem:v3+s2+$0x0], $0xffff;
	_ =	sdelay $0x1  }
0x10: {  	v4 =	vor.u32 $0x40, v0;
	v9 =	vshll.u32 v5, $0x6;
	v6 =	vshll.u32 v6, $0x4  }
0x11: {  	v5 =	vor.u32 $0x41, v0;
	v7 =	vshll.u32 v7, $0x2;
	v9 =	vadd.s32 v9, v6  }
0x12: {  	v6 =	vor.u32 $0x42, v0;
	v7 =	vadd.s32 v7, v9  }
0x13: {  	v8 =	vadd.s32 v8, v7  }
0x14: {  	v7 =	vor.u32 $0x43, v0;
	[tilespmem:$0x200] =	vst v8  }
0x15: {  	v9 =	vld.idx.msk [tilespmem:v4+s2+$0x0], $0xffff  }
0x16: {  	v10 =	vld.idx.msk [tilespmem:v5+s2+$0x0], $0xffff  }
0x17: {  	v11 =	vld.idx.msk [tilespmem:v6+s2+$0x0], $0xffff;
	_ =	sdelay $0x1  }
0x18: {  	v12 =	vld.idx.msk [tilespmem:v7+s2+$0x0], $0xffff;
	_ =	sdelay $0x1  }
0x19: {  	v8 =	vor.u32 $0x80, v0;
	v13 =	vshll.u32 v9, $0x6;
	v10 =	vshll.u32 v10, $0x4  }
0x1a: {  	v9 =	vor.u32 $0x81, v0;
	v13 =	vadd.s32 v13, v10;
	v11 =	vshll.u32 v11, $0x2  }
0x1b: {  	v10 =	vor.u32 $0x82, v0;
	v11 =	vadd.s32 v11, v13  }
0x1c: {  	v12 =	vadd.s32 v12, v11  }
0x1d: {  	v11 =	vor.u32 $0x83, v0;
	[tilespmem:$0x210] =	vst v12  }
0x1e: {  	v13 =	vld.idx.msk [tilespmem:v8+s2+$0x0], $0xffff  }
0x1f: {  	v14 =	vld.idx.msk [tilespmem:v9+s2+$0x0], $0xffff  }
0x20: {  	v15 =	vld.idx.msk [tilespmem:v10+s2+$0x0], $0xffff;
	_ =	sdelay $0x1  }
0x21: {  	v16 =	vld.idx.msk [tilespmem:v11+s2+$0x0], $0xffff;
	_ =	sdelay $0x1  }
0x22: {  	v12 =	vor.u32 $0xC0, v0;
	v17 =	vshll.u32 v13, $0x6;
	v14 =	vshll.u32 v14, $0x4  }
0x23: {  	v13 =	vor.u32 $0xC1, v0;
	v17 =	vadd.s32 v17, v14;
	v15 =	vshll.u32 v15, $0x2  }
0x24: {  	v14 =	vor.u32 $0xC2, v0;
	v15 =	vadd.s32 v15, v17  }
0x25: {  	v16 =	vadd.s32 v16, v15  }
0x26: {  	v15 =	vor.u32 $0xC3, v0;
	[tilespmem:$0x220] =	vst v16  }
0x27: {  	v17 =	vld.idx.msk [tilespmem:v12+s2+$0x0], $0xffff  }
0x28: {  	v18 =	vld.idx.msk [tilespmem:v13+s2+$0x0], $0xffff  }
0x29: {  	v19 =	vld.idx.msk [tilespmem:v14+s2+$0x0], $0xffff;
	_ =	sdelay $0x1  }
0x2a: {  	v20 =	vld.idx.msk [tilespmem:v15+s2+$0x0], $0xffff;
	_ =	sdelay $0x1  }
0x2b: {  	v16 =	vor.u32 $0x100, v0;
	v21 =	vshll.u32 v17, $0x6;
	v18 =	vshll.u32 v18, $0x4  }
0x2c: {  	v17 =	vor.u32 $0x101, v0;
	v21 =	vadd.s32 v21, v18;
	v19 =	vshll.u32 v19, $0x2  }
0x2d: {  	v18 =	vor.u32 $0x102, v0;
	v19 =	vadd.s32 v19, v21  }
0x2e: {  	v20 =	vadd.s32 v20, v19  }
0x2f: {  	v19 =	vor.u32 $0x103, v0;
	[tilespmem:$0x230] =	vst v20  }
0x30: {  	v21 =	vld.idx.msk [tilespmem:v16+s2+$0x0], $0xffff  }
0x31: {  	v22 =	vld.idx.msk [tilespmem:v17+s2+$0x0], $0xffff  }
0x32: {  	v23 =	vld.idx.msk [tilespmem:v18+s2+$0x0], $0xffff;
	_ =	sdelay $0x1  }
0x33: {  	v24 =	vld.idx.msk [tilespmem:v19+s2+$0x0], $0xffff;
	_ =	sdelay $0x1  }
0x34: {  	v20 =	vor.u32 $0x140, v0;
	v25 =	vshll.u32 v21, $0x6;
	v22 =	vshll.u32 v22, $0x4  }
0x35: {  	v21 =	vor.u32 $0x141, v0;
	v25 =	vadd.s32 v25, v22;
	v23 =	vshll.u32 v23, $0x2  }
0x36: {  	v22 =	vor.u32 $0x142, v0;
	v23 =	vadd.s32 v23, v25  }
0x37: {  	v24 =	vadd.s32 v24, v23  }
0x38: {  	v23 =	vor.u32 $0x143, v0;
	[tilespmem:$0x240] =	vst v24  }
0x39: {  	v25 =	vld.idx.msk [tilespmem:v20+s2+$0x0], $0xffff  }
0x3a: {  	v26 =	vld.idx.msk [tilespmem:v21+s2+$0x0], $0xffff  }
0x3b: {  	v27 =	vld.idx.msk [tilespmem:v22+s2+$0x0], $0xffff;
	_ =	sdelay $0x1  }
0x3c: {  	v28 =	vld.idx.msk [tilespmem:v23+s2+$0x0], $0xffff;
	_ =	sdelay $0x1  }
0x3d: {  	v29 =	vshll.u32 v25, $0x6;
	v26 =	vshll.u32 v26, $0x4  }
0x3e: {  	v26 =	vadd.s32 v29, v26;
	v27 =	vshll.u32 v27, $0x2  }
0x3f: {  	v24 =	vor.u32 $0x181, v0;
	v26 =	vadd.s32 v27, v26  }
0x40: {  	v25 =	vor.u32 $0x180, v0;
	v26 =	vadd.s32 v28, v26  }
0x41: {  	s8 =	ssub.s32 $0x2, s8;
	[tilespmem:$0x250] =	vst v26;
	v26 =	vor.u32 $0x182, v0  }
0x42: {  	s9 =	sshrl.u32 s8, $0x1  }
0x43: {  	s8 =	ssub.s32 s8, s9;
	v27 =	vor.u32 $0x183, v0  }
0x44: {  	s11 =	smax.u32 s8, $0x1;
	v34 =	vld.idx.msk [tilespmem:v24+s2+$0x0], $0xffff  }
0x45: {  	p0 =	sne.s32 s11, $0x1;
	v35 =	vld.idx.msk [tilespmem:v25+s2+$0x0], $0xffff  }
.Ltmp0:
0x46: {  	v32 =	vld.idx.msk [tilespmem:v26+s2+$0x0], $0xffff;
	(pc) =	sbr.rel @!p0 .LBB2_2-.Ltmp0, $4  }
0x47: {  	_ = 	snop  }
0x48: {  	s10 =	simm.s32 $0x1;
	s31 =	sshll.u32 s6, $0xC;
	v33 =	vld.idx.msk [tilespmem:v27+s2+$0x0], $0xffff  }
0x49: {  	s6 =	sadd.s32 $0x400, s5;
	v30 =	vor.u32 $0x1C2, v0;
	v31 =	vor.u32 $0x1C3, v0;
	s5 =	sadd.s32 s7, s31;
	s7 =	simm.s32 $0x80;
	v29 =	vor.u32 $0x1C1, v0  }
0x4a: {  	s9 =	simm.s32 $0x280;
	s8 =	simm.s32 $0x200;
	s11 =	sadd.s32 $0xFFFFFFFF, s11;
	v28 =	vor.u32 $0x1C0, v0;
	v34 =	vshll.u32 v34, $0x4;
	v35 =	vshll.u32 v35, $0x6  }
.LBB2_1:
0x4b: {  	p0 =	sne.s32 s11, $0x1;
	s11 =	sadd.s32 $0xFFFFFFFF, s11;
	v34 =	vadd.s32 v35, v34;
	v32 =	vshll.u32 v32, $0x2  }
0x4c: {  	v32 =	vadd.s32 v32, v34  }
0x4d: {  	v32 =	vadd.s32 v33, v32  }
0x4e: {  	[tilespmem:$0x260] =	vst v32  }
0x4f: {  	v32 =	vld.idx.msk [tilespmem:v28+s2+$0x0], $0xffff  }
0x50: {  	v33 =	vld.idx.msk [tilespmem:v29+s2+$0x0], $0xffff  }
0x51: {  	v34 =	vld.idx.msk [tilespmem:v30+s2+$0x0], $0xffff  }
0x52: {  	v35 =	vld.idx.msk [tilespmem:v31+s2+$0x0], $0xffff;
	_ =	sdelay $0x3  }
0x53: {  	v32 =	vshll.u32 v32, $0x6;
	v33 =	vshll.u32 v33, $0x4  }
0x54: {  	v32 =	vadd.s32 v32, v33;
	v33 =	vshll.u32 v34, $0x2  }
0x55: {  	v32 =	vadd.s32 v33, v32  }
0x56: {  	v32 =	vadd.s32 v35, v32  }
0x57: {  	[tilespmem:$0x270] =	vst v32  }
0x58: {  	[tilespmem:s9], [sflag:$0x1] =	stream.indirect.gather [hbm4b:s6+s7], $0x100, s8, s7, $0xb8;
	[tilespmem:$0x8280] =	vst v63  }
0x59: {  	_ =	swait.ge [sflag:s10], $0x8000  }
0x5a: {  	[sflag:s10] =	ssyncset.done $0x0  }
0x5b: {  	[sflag:s10] =	ssyncadd.s32 $0xFFFF8000  }
0x5c: {  	[hbm4b:s5+s2] =	stream.linear.scatter [tilespmem:s9], [sflag:$0x2], $0x8000, $0x38;
	[tilespmem:$0x8280] =	vst v63  }
0x5d: {  	_ =	swait.ge [sflag:s3], $0x8000  }
0x5e: {  	[sflag:s3] =	ssyncset.done $0x0  }
0x5f: {  	[sflag:s3] =	ssyncadd.s32 $0xFFFF8000  }
0x60: {  	[tilespmem:s2], [sflag:$0x2] =	stream.linear.gather [hbm4b:s4+s2], $0x200, $0x38;
	[tilespmem:$0x8280] =	vst v63  }
0x61: {  	_ =	swait.ge [sflag:s3], $0x200  }
0x62: {  	[sflag:s3] =	ssyncset.done $0x0  }
0x63: {  	[sflag:s3] =	ssyncadd.s32 $0xFFFFFE00  }
0x64: {  	v32 =	vld.idx.msk [tilespmem:v0+s2+$0x0], $0xffff  }
0x65: {  	v33 =	vld.idx.msk [tilespmem:v1+s2+$0x0], $0xffff  }
0x66: {  	v34 =	vld.idx.msk [tilespmem:v2+s2+$0x0], $0xffff  }
0x67: {  	v35 =	vld.idx.msk [tilespmem:v3+s2+$0x0], $0xffff;
	_ =	sdelay $0x3  }
0x68: {  	v32 =	vshll.u32 v32, $0x6;
	v33 =	vshll.u32 v33, $0x4  }
0x69: {  	v32 =	vadd.s32 v32, v33;
	v33 =	vshll.u32 v34, $0x2  }
0x6a: {  	v32 =	vadd.s32 v33, v32  }
0x6b: {  	v32 =	vadd.s32 v35, v32  }
0x6c: {  	[tilespmem:$0x200] =	vst v32  }
0x6d: {  	v32 =	vld.idx.msk [tilespmem:v4+s2+$0x0], $0xffff  }
0x6e: {  	v33 =	vld.idx.msk [tilespmem:v5+s2+$0x0], $0xffff  }
0x6f: {  	v34 =	vld.idx.msk [tilespmem:v6+s2+$0x0], $0xffff  }
0x70: {  	v35 =	vld.idx.msk [tilespmem:v7+s2+$0x0], $0xffff;
	_ =	sdelay $0x2  }
0x71: {  	v32 =	vshll.u32 v32, $0x6  }
0x72: {  	v33 =	vshll.u32 v33, $0x4  }
0x73: {  	v32 =	vadd.s32 v32, v33;
	v33 =	vshll.u32 v34, $0x2  }
0x74: {  	v32 =	vadd.s32 v33, v32  }
0x75: {  	v32 =	vadd.s32 v35, v32  }
0x76: {  	[tilespmem:$0x210] =	vst v32  }
0x77: {  	v32 =	vld.idx.msk [tilespmem:v8+s2+$0x0], $0xffff  }
0x78: {  	v33 =	vld.idx.msk [tilespmem:v9+s2+$0x0], $0xffff  }
0x79: {  	v34 =	vld.idx.msk [tilespmem:v10+s2+$0x0], $0xffff;
	_ =	sdelay $0x1  }
0x7a: {  	v35 =	vld.idx.msk [tilespmem:v11+s2+$0x0], $0xffff;
	_ =	sdelay $0x2  }
0x7b: {  	v32 =	vshll.u32 v32, $0x6;
	v33 =	vshll.u32 v33, $0x4  }
0x7c: {  	v32 =	vadd.s32 v32, v33;
	v33 =	vshll.u32 v34, $0x2  }
0x7d: {  	v32 =	vadd.s32 v33, v32  }
0x7e: {  	v32 =	vadd.s32 v35, v32  }
0x7f: {  	[tilespmem:$0x220] =	vst v32  }
0x80: {  	v32 =	vld.idx.msk [tilespmem:v12+s2+$0x0], $0xffff  }
0x81: {  	v33 =	vld.idx.msk [tilespmem:v13+s2+$0x0], $0xffff  }
0x82: {  	v34 =	vld.idx.msk [tilespmem:v14+s2+$0x0], $0xffff;
	_ =	sdelay $0x1  }
0x83: {  	v35 =	vld.idx.msk [tilespmem:v15+s2+$0x0], $0xffff;
	_ =	sdelay $0x1  }
0x84: {  	v32 =	vshll.u32 v32, $0x6  }
0x85: {  	v33 =	vshll.u32 v33, $0x4  }
0x86: {  	v32 =	vadd.s32 v32, v33;
	v33 =	vshll.u32 v34, $0x2  }
0x87: {  	v32 =	vadd.s32 v33, v32  }
0x88: {  	v32 =	vadd.s32 v35, v32  }
0x89: {  	[tilespmem:$0x230] =	vst v32  }
0x8a: {  	v32 =	vld.idx.msk [tilespmem:v16+s2+$0x0], $0xffff  }
0x8b: {  	v33 =	vld.idx.msk [tilespmem:v17+s2+$0x0], $0xffff  }
0x8c: {  	v34 =	vld.idx.msk [tilespmem:v18+s2+$0x0], $0xffff;
	_ =	sdelay $0x1  }
0x8d: {  	v35 =	vld.idx.msk [tilespmem:v19+s2+$0x0], $0xffff;
	_ =	sdelay $0x1  }
0x8e: {  	v32 =	vshll.u32 v32, $0x6  }
0x8f: {  	v33 =	vshll.u32 v33, $0x4  }
0x90: {  	v32 =	vadd.s32 v32, v33;
	v33 =	vshll.u32 v34, $0x2  }
0x91: {  	v32 =	vadd.s32 v33, v32  }
0x92: {  	v32 =	vadd.s32 v35, v32  }
0x93: {  	[tilespmem:$0x240] =	vst v32  }
0x94: {  	v32 =	vld.idx.msk [tilespmem:v20+s2+$0x0], $0xffff  }
0x95: {  	v33 =	vld.idx.msk [tilespmem:v21+s2+$0x0], $0xffff  }
0x96: {  	v34 =	vld.idx.msk [tilespmem:v22+s2+$0x0], $0xffff  }
0x97: {  	v35 =	vld.idx.msk [tilespmem:v23+s2+$0x0], $0xffff;
	_ =	sdelay $0x2  }
0x98: {  	v32 =	vshll.u32 v32, $0x6  }
0x99: {  	v33 =	vshll.u32 v33, $0x4  }
0x9a: {  	v32 =	vadd.s32 v32, v33;
	v33 =	vshll.u32 v34, $0x2  }
0x9b: {  	v32 =	vadd.s32 v33, v32  }
0x9c: {  	v32 =	vadd.s32 v35, v32  }
0x9d: {  	[tilespmem:$0x250] =	vst v32  }
0x9e: {  	v34 =	vld.idx.msk [tilespmem:v24+s2+$0x0], $0xffff  }
0x9f: {  	v35 =	vld.idx.msk [tilespmem:v25+s2+$0x0], $0xffff  }
0xa0: {  	v32 =	vld.idx.msk [tilespmem:v26+s2+$0x0], $0xffff  }
.Ltmp1:
0xa1: {  	v33 =	vld.idx.msk [tilespmem:v27+s2+$0x0], $0xffff;
	(pc) =	sbr.rel @p0 .LBB2_1-.Ltmp1, $3  }
0xa2: {  	_ =	sdelay $0x1  }
0xa3: {  	v34 =	vshll.u32 v34, $0x4  }
0xa4: {  	v35 =	vshll.u32 v35, $0x6  }
.LBB2_2:
0xa5: {  	v0 =	vadd.s32 v35, v34;
	v1 =	vshll.u32 v32, $0x2  }
0xa6: {  	v0 =	vadd.s32 v1, v0  }
0xa7: {  	v0 =	vadd.s32 v33, v0  }
0xa8: {  	[tilespmem:$0x260] =	vst v0  }
0xa9: {  	v0 =	vld.idx.msk [tilespmem:v28+s2+$0x0], $0xffff  }
0xaa: {  	v62 =	vld.idx.msk [tilespmem:v29+s2+$0x0], $0xffff  }
0xab: {  	v2 =	vld.idx.msk [tilespmem:v30+s2+$0x0], $0xffff;
	_ =	sdelay $0x1  }
0xac: {  	v3 =	vld.idx.msk [tilespmem:v31+s2+$0x0], $0xffff;
	_ =	sdelay $0x1  }
0xad: {  	v0 =	vshll.u32 v0, $0x6;
	v1 =	vshll.u32 v62, $0x4  }
0xae: {  	v63 =	vshll.u32 v2, $0x2;
	v0 =	vadd.s32 v0, v1  }
0xaf: {  	v0 =	vadd.s32 v63, v0  }
0xb0: {  	v0 =	vadd.s32 v3, v0  }
0xb1: {  	[tilespmem:$0x270] =	vst v0  }
0xb2: {  	[tilespmem:s9], [sflag:$0x1] =	stream.indirect.gather [hbm4b:s6+s7], $0x100, s8, s7, $0xb8;
	[tilespmem:$0x8280] =	vst v63  }
0xb3: {  	_ =	swait.ge [sflag:s10], $0x8000  }
0xb4: {  	[sflag:s10] =	ssyncset.done $0x0  }
0xb5: {  	[sflag:s10] =	ssyncadd.s32 $0xFFFF8000  }
0xb6: {  	[hbm4b:s5+s2] =	stream.linear.scatter [tilespmem:s9], [sflag:$0x2], $0x8000, $0x38;
	[tilespmem:$0x8280] =	vst v63  }
0xb7: {  	_ =	swait.ge [sflag:s3], $0x8000  }
0xb8: {  	[sflag:s3] =	ssyncset.done $0x0  }
0xb9: {  	[sflag:s3] =	ssyncadd.s32 $0xFFFF8000  }
0xba: {  	_ =	sfence.sel $0x180000  }
0xbb: {  	[bflag:$0x0] =	sbarrier.arrive $0xFFFF  }
0xbc: {  	p0 =	sne.s32 s0, $0x0;
	_ =	strace $0x90000047  }
0xbd: {  	s0 =	sadd.s32 @!p0 $0x100000, s1;
	[bflag:$0x2] =	sbarrier.arrive $0xFFFF  }
0xbe: {  	[sflag:s0] =	ssyncadd.tile.s32 @!p0 $0x1;
	_ =	shalt  }
.Lfunc_end2:
_tile_overlayer_lowered:
.L_overlay_start_2:
0xbf: {  	(tag) =	ssettag $0x2  }
0xc0: {  	s0 =	rddreg [dreg:$0x0];
	s2 =	stileid.u32  }
0xc1: {  	s1 =	rddreg [dreg:$0x1];
	p0 =	sne.s32 s2, $0x0  }
0xc2: {  	s3 =	rddreg [dreg:$0x2];
	[bflag:$0x3] =	sbarrier.arrive $0xFFFF;
	s2 =	simm.s32 @!p0 $0x1C02  }
0xc3: {  	[timem:s3], [sflag:s2] =	dma.local @!p0 [hbm:s0], s1  }
0xc4: {  	s0 =	simm.s32 @!p0 $0x2  }
0xc5: {  	_ =	swait.ge @!p0 [sflag:s0], s1  }
0xc6: {  	s1 =	ssub.s32 @!p0 $0x0, s1;
	[sflag:s0] =	ssyncset.done @!p0 $0x0  }
0xc7: {  	[sflag:s0] =	ssyncadd.s32 @!p0 s1  }
0xc8: {  	[bflag:$0x3] =	sbarrier.arrive $0xFFFF  }
0xc9: {  	_ =	shalt  }

</sc_bundles>
